<compile_context>
chip_gen: v7x
topology: tpu7x:2x2x1
jax: 0.10.2.dev20260603
libtpu: 0.0.44.dev20260713+nightly
codegen_flags: <defaults>
</compile_context>

<pallas_src>
import functools

import jax
import jax.numpy as jnp
from jax import lax
from jax.experimental import pallas as pl
from jax.experimental.pallas import tpu as pltpu
from jax.experimental.pallas import tpu_sc as plsc

NUM_TOKENS = 100
HIDDEN = 1024
BATCH = 1024
B_TOTAL = BATCH * NUM_TOKENS

NC = 2
NS = 16
NW = NC * NS
B_PER_W = B_TOTAL // NW
CHUNK = 40
NCHUNK = B_PER_W // CHUNK
NBUF = 2

_mesh = plsc.VectorSubcoreMesh(
    core_axis_name="c", subcore_axis_name="s", num_cores=NC, num_subcores=NS
)


@functools.partial(
    pl.kernel,
    out_type=jax.ShapeDtypeStruct((B_TOTAL, HIDDEN), jnp.float32),
    mesh=_mesh,
    scratch_types=[
        pltpu.VMEM((B_PER_W,), jnp.int32),
        pltpu.VMEM((NBUF, CHUNK, HIDDEN), jnp.float32),
        pltpu.SemaphoreType.DMA,
    ],
)
def _gather_kernel(idx_hbm, table_hbm, out_hbm, idx_v, rows_v, sem):
    wid = lax.axis_index("s") * NC + lax.axis_index("c")
    base = wid * B_PER_W
    pltpu.sync_copy(idx_hbm.at[pl.ds(base, B_PER_W)], idx_v)

    def outer(g):
        cps = []
        for b in range(NBUF):
            start = (g + b) * CHUNK
            cp = pltpu.async_copy(
                table_hbm.at[idx_v.at[pl.ds(start, CHUNK)]], rows_v.at[b], sem
            )
            cps.append(cp)
        for b in range(NBUF):
            start = (g + b) * CHUNK
            cps[b].wait()
            pltpu.sync_copy(
                rows_v.at[b], out_hbm.at[pl.ds(base + start, CHUNK)]
            )

    pl.loop(0, NCHUNK, step=NBUF)(outer)


def kernel(prompts, prompt_table):
    idx = prompts.reshape(-1).astype(jnp.int32)
    out = _gather_kernel(idx, prompt_table)
    return out.reshape(BATCH, NUM_TOKENS, HIDDEN)

# --- scband reference (transcript-rebuilt; emitter-appended) ---
"""Pipeline reference for scband-prompt-encoder-67748814127470 (READ-ONLY COPY).

The authoritative reference and input builder live on the scoring server;
editing this copy changes nothing except your own understanding.
"""

import jax, jax.numpy as jnp
import numpy as np

NUM_PROMPT_TOKENS = 100
HIDDEN_SIZE = 1024
BATCH = 1024

def setup_inputs(seed: int = 0) -> dict:
    key = jax.random.key(seed)
    k1, k2 = jax.random.split(key)
    # word_embedding[:num_prompt_tokens] initializes the prompt table; we materialize
    # the resulting prompt_embeddings weight directly.
    prompt_table = jax.random.normal(k1, (NUM_PROMPT_TOKENS, HIDDEN_SIZE), dtype=jnp.float32) * 0.02
    prompts = jax.random.randint(k2, (BATCH, NUM_PROMPT_TOKENS), 0, NUM_PROMPT_TOKENS, dtype=jnp.int64)
    return {"prompts": prompts, "prompt_table": prompt_table}

def reference(prompts, prompt_table):
    # nn.Embedding lookup == row gather from the table
    return jnp.take(prompt_table, prompts, axis=0)

if __name__ == "__main__":
    import jax
    _d = setup_inputs()
    print(jax.jit(kernel)(*tuple(_d.values())))

</pallas_src>

<mosaic_0001>
#map = affine_map<(d0, d1) -> (0)>
#map1 = affine_map<(d0, d1) -> (0, 0)>
module attributes {stable_mosaic.version = 14 : i64} {
  func.func @_gather_kernel(%arg0: i32, %arg1: i32, %arg2: memref<102400xi32, #tpu.memory_space<hbm>>, %arg3: memref<100x1024xf32, #tpu.memory_space<hbm>>, %arg4: memref<102400x1024xf32, #tpu.memory_space<hbm>>, %arg5: memref<3200xi32, #tpu.memory_space<vmem>>, %arg6: memref<2x40x1024xf32, #tpu.memory_space<vmem>>, %arg7: memref<!tpu.dma_semaphore, #tpu.memory_space<semaphore_mem>>) attributes {dimension_semantics = [#tpu.dimension_semantics<core_parallel>, #tpu.dimension_semantics<subcore_parallel>], iteration_bounds = array<i64: 2, 16>, scalar_prefetch = 0 : i64, scratch_operands = 3 : i64, tpu.core_type = #tpu.core_type<sc_vector_subcore>, window_params = [{transform_indices = #map}, {transform_indices = #map1}, {transform_indices = #map1}]} {
    %mul3A = arith.constant 2 : i32
    %mul3A_0 = arith.muli %arg1, %mul3A : i32
    %add3A = arith.addi %mul3A_0, %arg0 : i32
    %mul3A_1 = arith.constant 3200 : i32
    %mul3A_2 = arith.muli %add3A, %mul3A_1 : i32
    "tpu.region"() ({
      %run_scoped3A = tpu.sem_alloc : memref<!tpu.dma_semaphore, #tpu.memory_space<semaphore_mem>>
      %dma_start3A = tpu.memref_slice %arg2[%mul3A_2] : memref<102400xi32, #tpu.memory_space<hbm>> -> memref<3200xi32, #tpu.memory_space<hbm>>
      %dma_start3A_7 = tpu.memref_slice %arg2[%mul3A_2] : memref<102400xi32, #tpu.memory_space<hbm>> -> memref<3200xi32, #tpu.memory_space<hbm>>
      tpu.enqueue_dma source(%dma_start3A_7 : memref<3200xi32, #tpu.memory_space<hbm>>) target(%arg5 : memref<3200xi32, #tpu.memory_space<vmem>>) target_semaphore(%run_scoped3A : memref<!tpu.dma_semaphore, #tpu.memory_space<semaphore_mem>>)
      %dma_wait3A = tpu.memref_slice %arg2[%mul3A_2] : memref<102400xi32, #tpu.memory_space<hbm>> -> memref<3200xi32, #tpu.memory_space<hbm>>
      %dma_wait3A_8 = tpu.memref_slice %arg2[%mul3A_2] : memref<102400xi32, #tpu.memory_space<hbm>> -> memref<3200xi32, #tpu.memory_space<hbm>>
      tpu.wait_dma2 semaphore(%run_scoped3A : memref<!tpu.dma_semaphore, #tpu.memory_space<semaphore_mem>>) src(%dma_wait3A_8 : memref<3200xi32, #tpu.memory_space<hbm>>) dst(%arg5 : memref<3200xi32, #tpu.memory_space<vmem>>)
      tpu.yield
    }) : () -> ()
    %scan3A = arith.constant 0 : i32
    %scan3A_3 = arith.constant 40 : i32
    %scan3A_4 = arith.addi %scan3A, %scan3A_3 : i32
    %scan3A_5 = arith.constant 1 : i32
    scf.for %scan3A_7 = %scan3A to %scan3A_4 step %scan3A_5  : i32 {
      %mul3A_8 = arith.constant 2 : i32
      %mul3A_9 = arith.muli %scan3A_7, %mul3A_8 : i32
      %add3A_10 = arith.constant 0 : i32
      %add3A_11 = arith.addi %add3A_10, %mul3A_9 : i32
      %add3A_12 = arith.constant 0 : i32
      %add3A_13 = arith.addi %add3A_11, %add3A_12 : i32
      %mul3A_14 = arith.constant 40 : i32
      %mul3A_15 = arith.muli %add3A_13, %mul3A_14 : i32
      %dma_start3A = arith.constant 0 : i32
      %dma_start3A_16 = arith.constant 0 : i32
      %dma_start3A_17 = arith.constant 0 : i32
      %dma_start3A_18 = tpu.memref_slice %arg6[%dma_start3A, %dma_start3A_16, %dma_start3A_17] : memref<2x40x1024xf32, #tpu.memory_space<vmem>> -> memref<1x40x1024xf32, #tpu.memory_space<vmem>>
      %dma_start3A_19 = tpu.memref_squeeze %dma_start3A_18 : memref<1x40x1024xf32, #tpu.memory_space<vmem>> -> memref<40x1024xf32, #tpu.memory_space<vmem>>
      %dma_start3A_20 = tpu.memref_slice %arg5[%mul3A_15] : memref<3200xi32, #tpu.memory_space<vmem>> -> memref<40xi32, #tpu.memory_space<vmem>>
      %dma_start3A_21 = arith.constant 0 : i32
      %dma_start3A_22 = arith.constant 0 : i32
      %dma_start3A_23 = tpu.memref_slice %arg3[%dma_start3A_21, %dma_start3A_22] : memref<100x1024xf32, #tpu.memory_space<hbm>> -> memref<100x1024xf32, #tpu.memory_space<hbm>>
      tpu.enqueue_indirect_dma source(%dma_start3A_23 : memref<100x1024xf32, #tpu.memory_space<hbm>>) target(%dma_start3A_19 : memref<40x1024xf32, #tpu.memory_space<vmem>>) offsets(%dma_start3A_20 : memref<40xi32, #tpu.memory_space<vmem>>) semaphore(%arg7 : memref<!tpu.dma_semaphore, #tpu.memory_space<semaphore_mem>>)
      %add3A_24 = arith.constant 1 : i32
      %add3A_25 = arith.addi %add3A_11, %add3A_24 : i32
      %mul3A_26 = arith.constant 40 : i32
      %mul3A_27 = arith.muli %add3A_25, %mul3A_26 : i32
      %dma_start3A_28 = arith.constant 1 : i32
      %dma_start3A_29 = arith.constant 0 : i32
      %dma_start3A_30 = arith.constant 0 : i32
      %dma_start3A_31 = tpu.memref_slice %arg6[%dma_start3A_28, %dma_start3A_29, %dma_start3A_30] : memref<2x40x1024xf32, #tpu.memory_space<vmem>> -> memref<1x40x1024xf32, #tpu.memory_space<vmem>>
      %dma_start3A_32 = tpu.memref_squeeze %dma_start3A_31 : memref<1x40x1024xf32, #tpu.memory_space<vmem>> -> memref<40x1024xf32, #tpu.memory_space<vmem>>
      %dma_start3A_33 = tpu.memref_slice %arg5[%mul3A_27] : memref<3200xi32, #tpu.memory_space<vmem>> -> memref<40xi32, #tpu.memory_space<vmem>>
      %dma_start3A_34 = arith.constant 0 : i32
      %dma_start3A_35 = arith.constant 0 : i32
      %dma_start3A_36 = tpu.memref_slice %arg3[%dma_start3A_34, %dma_start3A_35] : memref<100x1024xf32, #tpu.memory_space<hbm>> -> memref<100x1024xf32, #tpu.memory_space<hbm>>
      tpu.enqueue_indirect_dma source(%dma_start3A_36 : memref<100x1024xf32, #tpu.memory_space<hbm>>) target(%dma_start3A_32 : memref<40x1024xf32, #tpu.memory_space<vmem>>) offsets(%dma_start3A_33 : memref<40xi32, #tpu.memory_space<vmem>>) semaphore(%arg7 : memref<!tpu.dma_semaphore, #tpu.memory_space<semaphore_mem>>)
      %add3A_37 = arith.constant 0 : i32
      %add3A_38 = arith.addi %add3A_11, %add3A_37 : i32
      %mul3A_39 = arith.constant 40 : i32
      %mul3A_40 = arith.muli %add3A_38, %mul3A_39 : i32
      %dma_wait3A = arith.constant 0 : i32
      %dma_wait3A_41 = arith.constant 0 : i32
      %dma_wait3A_42 = arith.constant 0 : i32
      %dma_wait3A_43 = tpu.memref_slice %arg6[%dma_wait3A, %dma_wait3A_41, %dma_wait3A_42] : memref<2x40x1024xf32, #tpu.memory_space<vmem>> -> memref<1x40x1024xf32, #tpu.memory_space<vmem>>
      %dma_wait3A_44 = tpu.memref_squeeze %dma_wait3A_43 : memref<1x40x1024xf32, #tpu.memory_space<vmem>> -> memref<40x1024xf32, #tpu.memory_space<vmem>>
      %dma_wait3A_45 = tpu.memref_slice %arg5[%mul3A_15] : memref<3200xi32, #tpu.memory_space<vmem>> -> memref<40xi32, #tpu.memory_space<vmem>>
      %dma_wait3A_46 = arith.constant 0 : i32
      %dma_wait3A_47 = arith.constant 0 : i32
      %dma_wait3A_48 = tpu.memref_slice %arg3[%dma_wait3A_46, %dma_wait3A_47] : memref<100x1024xf32, #tpu.memory_space<hbm>> -> memref<100x1024xf32, #tpu.memory_space<hbm>>
      tpu.wait_indirect_dma semaphore(%arg7 : memref<!tpu.dma_semaphore, #tpu.memory_space<semaphore_mem>>) src(%dma_wait3A_48 : memref<100x1024xf32, #tpu.memory_space<hbm>>) dst(%dma_wait3A_44 : memref<40x1024xf32, #tpu.memory_space<vmem>>)
      %add3A_49 = arith.addi %mul3A_2, %mul3A_40 : i32
      %run_scoped3A = arith.constant 0 : i32
      "tpu.region"() ({
        %run_scoped3A_65 = tpu.sem_alloc : memref<!tpu.dma_semaphore, #tpu.memory_space<semaphore_mem>>
        %dma_start3A_66 = arith.constant 0 : i32
        %dma_start3A_67 = arith.constant 0 : i32
        %dma_start3A_68 = tpu.memref_slice %arg6[%run_scoped3A, %dma_start3A_66, %dma_start3A_67] : memref<2x40x1024xf32, #tpu.memory_space<vmem>> -> memref<1x40x1024xf32, #tpu.memory_space<vmem>>
        %dma_start3A_69 = tpu.memref_squeeze %dma_start3A_68 : memref<1x40x1024xf32, #tpu.memory_space<vmem>> -> memref<40x1024xf32, #tpu.memory_space<vmem>>
        %dma_start3A_70 = arith.constant 0 : i32
        %dma_start3A_71 = tpu.memref_slice %arg4[%add3A_49, %dma_start3A_70] : memref<102400x1024xf32, #tpu.memory_space<hbm>> -> memref<40x1024xf32, #tpu.memory_space<hbm>>
        %dma_start3A_72 = arith.constant 0 : i32
        %dma_start3A_73 = tpu.memref_slice %arg4[%add3A_49, %dma_start3A_72] : memref<102400x1024xf32, #tpu.memory_space<hbm>> -> memref<40x1024xf32, #tpu.memory_space<hbm>>
        %dma_start3A_74 = arith.constant 0 : i32
        %dma_start3A_75 = arith.constant 0 : i32
        %dma_start3A_76 = tpu.memref_slice %arg6[%run_scoped3A, %dma_start3A_74, %dma_start3A_75] : memref<2x40x1024xf32, #tpu.memory_space<vmem>> -> memref<1x40x1024xf32, #tpu.memory_space<vmem>>
        %dma_start3A_77 = tpu.memref_squeeze %dma_start3A_76 : memref<1x40x1024xf32, #tpu.memory_space<vmem>> -> memref<40x1024xf32, #tpu.memory_space<vmem>>
        tpu.enqueue_dma source(%dma_start3A_77 : memref<40x1024xf32, #tpu.memory_space<vmem>>) target(%dma_start3A_73 : memref<40x1024xf32, #tpu.memory_space<hbm>>) target_semaphore(%run_scoped3A_65 : memref<!tpu.dma_semaphore, #tpu.memory_space<semaphore_mem>>)
        %dma_wait3A_78 = arith.constant 0 : i32
        %dma_wait3A_79 = arith.constant 0 : i32
        %dma_wait3A_80 = tpu.memref_slice %arg6[%run_scoped3A, %dma_wait3A_78, %dma_wait3A_79] : memref<2x40x1024xf32, #tpu.memory_space<vmem>> -> memref<1x40x1024xf32, #tpu.memory_space<vmem>>
        %dma_wait3A_81 = tpu.memref_squeeze %dma_wait3A_80 : memref<1x40x1024xf32, #tpu.memory_space<vmem>> -> memref<40x1024xf32, #tpu.memory_space<vmem>>
        %dma_wait3A_82 = arith.constant 0 : i32
        %dma_wait3A_83 = tpu.memref_slice %arg4[%add3A_49, %dma_wait3A_82] : memref<102400x1024xf32, #tpu.memory_space<hbm>> -> memref<40x1024xf32, #tpu.memory_space<hbm>>
        %dma_wait3A_84 = arith.constant 0 : i32
        %dma_wait3A_85 = tpu.memref_slice %arg4[%add3A_49, %dma_wait3A_84] : memref<102400x1024xf32, #tpu.memory_space<hbm>> -> memref<40x1024xf32, #tpu.memory_space<hbm>>
        %dma_wait3A_86 = arith.constant 0 : i32
        %dma_wait3A_87 = arith.constant 0 : i32
        %dma_wait3A_88 = tpu.memref_slice %arg6[%run_scoped3A, %dma_wait3A_86, %dma_wait3A_87] : memref<2x40x1024xf32, #tpu.memory_space<vmem>> -> memref<1x40x1024xf32, #tpu.memory_space<vmem>>
        %dma_wait3A_89 = tpu.memref_squeeze %dma_wait3A_88 : memref<1x40x1024xf32, #tpu.memory_space<vmem>> -> memref<40x1024xf32, #tpu.memory_space<vmem>>
        tpu.wait_dma2 semaphore(%run_scoped3A_65 : memref<!tpu.dma_semaphore, #tpu.memory_space<semaphore_mem>>) src(%dma_wait3A_89 : memref<40x1024xf32, #tpu.memory_space<vmem>>) dst(%dma_wait3A_85 : memref<40x1024xf32, #tpu.memory_space<hbm>>)
        tpu.yield
      }) : () -> ()
      %add3A_50 = arith.constant 1 : i32
      %add3A_51 = arith.addi %add3A_11, %add3A_50 : i32
      %mul3A_52 = arith.constant 40 : i32
      %mul3A_53 = arith.muli %add3A_51, %mul3A_52 : i32
      %dma_wait3A_54 = arith.constant 1 : i32
      %dma_wait3A_55 = arith.constant 0 : i32
      %dma_wait3A_56 = arith.constant 0 : i32
      %dma_wait3A_57 = tpu.memref_slice %arg6[%dma_wait3A_54, %dma_wait3A_55, %dma_wait3A_56] : memref<2x40x1024xf32, #tpu.memory_space<vmem>> -> memref<1x40x1024xf32, #tpu.memory_space<vmem>>
      %dma_wait3A_58 = tpu.memref_squeeze %dma_wait3A_57 : memref<1x40x1024xf32, #tpu.memory_space<vmem>> -> memref<40x1024xf32, #tpu.memory_space<vmem>>
      %dma_wait3A_59 = tpu.memref_slice %arg5[%mul3A_27] : memref<3200xi32, #tpu.memory_space<vmem>> -> memref<40xi32, #tpu.memory_space<vmem>>
      %dma_wait3A_60 = arith.constant 0 : i32
      %dma_wait3A_61 = arith.constant 0 : i32
      %dma_wait3A_62 = tpu.memref_slice %arg3[%dma_wait3A_60, %dma_wait3A_61] : memref<100x1024xf32, #tpu.memory_space<hbm>> -> memref<100x1024xf32, #tpu.memory_space<hbm>>
      tpu.wait_indirect_dma semaphore(%arg7 : memref<!tpu.dma_semaphore, #tpu.memory_space<semaphore_mem>>) src(%dma_wait3A_62 : memref<100x1024xf32, #tpu.memory_space<hbm>>) dst(%dma_wait3A_58 : memref<40x1024xf32, #tpu.memory_space<vmem>>)
      %add3A_63 = arith.addi %mul3A_2, %mul3A_53 : i32
      %run_scoped3A_64 = arith.constant 1 : i32
      "tpu.region"() ({
        %run_scoped3A_65 = tpu.sem_alloc : memref<!tpu.dma_semaphore, #tpu.memory_space<semaphore_mem>>
        %dma_start3A_66 = arith.constant 0 : i32
        %dma_start3A_67 = arith.constant 0 : i32
        %dma_start3A_68 = tpu.memref_slice %arg6[%run_scoped3A_64, %dma_start3A_66, %dma_start3A_67] : memref<2x40x1024xf32, #tpu.memory_space<vmem>> -> memref<1x40x1024xf32, #tpu.memory_space<vmem>>
        %dma_start3A_69 = tpu.memref_squeeze %dma_start3A_68 : memref<1x40x1024xf32, #tpu.memory_space<vmem>> -> memref<40x1024xf32, #tpu.memory_space<vmem>>
        %dma_start3A_70 = arith.constant 0 : i32
        %dma_start3A_71 = tpu.memref_slice %arg4[%add3A_63, %dma_start3A_70] : memref<102400x1024xf32, #tpu.memory_space<hbm>> -> memref<40x1024xf32, #tpu.memory_space<hbm>>
        %dma_start3A_72 = arith.constant 0 : i32
        %dma_start3A_73 = tpu.memref_slice %arg4[%add3A_63, %dma_start3A_72] : memref<102400x1024xf32, #tpu.memory_space<hbm>> -> memref<40x1024xf32, #tpu.memory_space<hbm>>
        %dma_start3A_74 = arith.constant 0 : i32
        %dma_start3A_75 = arith.constant 0 : i32
        %dma_start3A_76 = tpu.memref_slice %arg6[%run_scoped3A_64, %dma_start3A_74, %dma_start3A_75] : memref<2x40x1024xf32, #tpu.memory_space<vmem>> -> memref<1x40x1024xf32, #tpu.memory_space<vmem>>
        %dma_start3A_77 = tpu.memref_squeeze %dma_start3A_76 : memref<1x40x1024xf32, #tpu.memory_space<vmem>> -> memref<40x1024xf32, #tpu.memory_space<vmem>>
        tpu.enqueue_dma source(%dma_start3A_77 : memref<40x1024xf32, #tpu.memory_space<vmem>>) target(%dma_start3A_73 : memref<40x1024xf32, #tpu.memory_space<hbm>>) target_semaphore(%run_scoped3A_65 : memref<!tpu.dma_semaphore, #tpu.memory_space<semaphore_mem>>)
        %dma_wait3A_78 = arith.constant 0 : i32
        %dma_wait3A_79 = arith.constant 0 : i32
        %dma_wait3A_80 = tpu.memref_slice %arg6[%run_scoped3A_64, %dma_wait3A_78, %dma_wait3A_79] : memref<2x40x1024xf32, #tpu.memory_space<vmem>> -> memref<1x40x1024xf32, #tpu.memory_space<vmem>>
        %dma_wait3A_81 = tpu.memref_squeeze %dma_wait3A_80 : memref<1x40x1024xf32, #tpu.memory_space<vmem>> -> memref<40x1024xf32, #tpu.memory_space<vmem>>
        %dma_wait3A_82 = arith.constant 0 : i32
        %dma_wait3A_83 = tpu.memref_slice %arg4[%add3A_63, %dma_wait3A_82] : memref<102400x1024xf32, #tpu.memory_space<hbm>> -> memref<40x1024xf32, #tpu.memory_space<hbm>>
        %dma_wait3A_84 = arith.constant 0 : i32
        %dma_wait3A_85 = tpu.memref_slice %arg4[%add3A_63, %dma_wait3A_84] : memref<102400x1024xf32, #tpu.memory_space<hbm>> -> memref<40x1024xf32, #tpu.memory_space<hbm>>
        %dma_wait3A_86 = arith.constant 0 : i32
        %dma_wait3A_87 = arith.constant 0 : i32
        %dma_wait3A_88 = tpu.memref_slice %arg6[%run_scoped3A_64, %dma_wait3A_86, %dma_wait3A_87] : memref<2x40x1024xf32, #tpu.memory_space<vmem>> -> memref<1x40x1024xf32, #tpu.memory_space<vmem>>
        %dma_wait3A_89 = tpu.memref_squeeze %dma_wait3A_88 : memref<1x40x1024xf32, #tpu.memory_space<vmem>> -> memref<40x1024xf32, #tpu.memory_space<vmem>>
        tpu.wait_dma2 semaphore(%run_scoped3A_65 : memref<!tpu.dma_semaphore, #tpu.memory_space<semaphore_mem>>) src(%dma_wait3A_89 : memref<40x1024xf32, #tpu.memory_space<vmem>>) dst(%dma_wait3A_85 : memref<40x1024xf32, #tpu.memory_space<hbm>>)
        tpu.yield
      }) : () -> ()
    }
    %scan3A_6 = arith.constant 40 : i32
    return
  }
}

</mosaic_0001>

<sc_bundles>
// kernel: kernel.3.cloned.1.call-start
scs
__scs_entry_jumppad:
0x0: {  	(pc) =	sbr.rel $0x88, $3  }
0x1: {  	(tag) =	ssettag $0x0;
	lr =	simm.s32 $0x1  }
0x2: {  	[smem:$0x3F9F] =	sst lr;
	_ =	strace $0xD0000000  }
0x3: {  	_ = 	snop  }
0x4: {  	_ = 	snop  }
0x5: {  	_ = 	snop  }
0x6: {  	_ = 	snop  }
0x7: {  	_ = 	snop  }
__scs_overlays_trampoline_lowered:
0x8: {  	[smem:$0x3FAE] =	sst s0  }
0x9: {  	[smem:$0x3FAF] =	sst s1  }
0xa: {  	[smem:$0x3FB0] =	sst s2  }
0xb: {  	[smem:$0x3FB1] =	sst s3  }
0xc: {  	[smem:$0x3FB2] =	sst s4  }
0xd: {  	[smem:$0x3FB3] =	sst s5  }
0xe: {  	[smem:$0x3FB4] =	sst s6  }
0xf: {  	[smem:$0x3FB5] =	sst s7  }
0x10: {  	[smem:$0x3FB6] =	sst s8  }
0x11: {  	[smem:$0x3FB7] =	sst s9;
	s0 =	simm.s32 @!p0 $0x0  }
0x12: {  	s1 =	sld [smem:$0x3F9D];
	s0 =	simm.s32 @p0 $0x1  }
0x13: {  	[smem:$0x3FB8] =	sst s0;
	s0 =	simm.s32 @!p1 $0x0  }
0x14: {  	s2 =	sld [smem:$0x3F9C];
	s0 =	simm.s32 @p1 $0x1  }
0x15: {  	[smem:$0x3FB9] =	sst s0;
	s0 =	simm.s32 @!p2 $0x0  }
0x16: {  	s3 =	sld [smem:$0x3FDB];
	s0 =	simm.s32 @p2 $0x1  }
0x17: {  	s4 =	simm.s32 $0x1BF5;
	[smem:$0x3FBB] =	sst s0  }
0x18: {  	s0 =	sld [smem:$0x3F9E];
	_ =	swait.ge [sflag:s4], $0x0  }
0x19: {  	s7 =	sld [smem:$0x3F9F]  }
0x1a: {  	s8 =	sadd.s32 $0xFFFFE003, lr  }
0x1b: {  	s9 =	sadd.s32 $0xFFFFFEF7, lr;
	s5 =	simm.s32 $0xFFFFFFFF;
	p2 =	slt.u32 s8, $0xFFFFF086  }
0x1c: {  	p1 =	slt.u32 s9, $0xF7A;
	s5 =	simm.s32 @!p2 $0x0  }
0x1d: {  	s5 =	simm.s32 @p1 $0x1;
	p0 =	seq.s32 s7, s2  }
0x1e: {  	s7 =	smul.u32 @!p0 $0xF7A, s2;
	p2 =	seq.s32 @!p0 s5, $0x0  }
0x1f: {  	s9 =	smul.u32 $0xF7A, s1;
	s8 =	simm.s32 @!p0 $0x1BF5;
	p2 =	por !p2, p0  }
0x20: {  	[sflag:s8] =	ssyncset.s32 @!p0 $0xFFFFF086;
	s6 =	sadd.s32 @!p0 s3, s7;
	s7 =	simm.s32 @!p0 $0x108  }
0x21: {  	s3 =	sadd.s32 s3, s9;
	s6 =	sadd.s32 @!p0 $0x88, s6;
	s7 =	simm.s32 @p2 $0x1082  }
0x22: {  	[simem:s7], [sflag:s8] =	dma.local @!p0 [hbm:s6], $0xF7A  }
0x23: {  	s9 =	sor.u32 $0xD0000000, s2;
	s6 =	simm.s32 $0x108;
	_ =	swait.ge @!p0 [sflag:s8], $0x0  }
0x24: {  	s3 =	sadd.s32 $0x88, s3;
	s6 =	simm.s32 @!p1 $0x1082;
	[sflag:s4] =	ssyncset.s32 $0xFFFFF086  }
0x25: {  	[simem:s6], [sflag:s4] =	dma.local [hbm:s3], $0xF7A  }
0x26: {  	[smem:$0x3F9F] =	sst s1;
	(tag) =	ssettag s2;
	_ =	strace s9  }
0x27: {  	s1 =	sld [smem:$0x3FAF]  }
0x28: {  	s2 =	sld [smem:$0x3FB0]  }
0x29: {  	s4 =	sld [smem:$0x3FB2]  }
0x2a: {  	p0 =	seq.s32 s5, $0x0;
	s5 =	sld [smem:$0x3FB3]  }
0x2b: {  	s6 =	sld [smem:$0x3FB4]  }
0x2c: {  	s7 =	sld [smem:$0x3FB5]  }
0x2d: {  	s3 =	simm.s32 $0x108;
	s8 =	sld [smem:$0x3FB6]  }
0x2e: {  	s3 =	simm.s32 @!p0 $0x1082;
	s9 =	sld [smem:$0x3FB7]  }
0x2f: {  	lr =	sadd.s32 s0, s3;
	s0 =	sld [smem:$0x3FAE]  }
0x30: {  	s3 =	sld [smem:$0x3FB1]  }
0x31: {  	[smem:$0x3FBA] =	sst s10  }
0x32: {  	s10 =	sld [smem:$0x3FB8];
	_ =	sdelay $0x3  }
0x33: {  	p0 =	seq.s32 s10, $0x1;
	s10 =	sld [smem:$0x3FBA];
	_ =	sdelay $0x3  }
0x34: {  	[smem:$0x3FBA] =	sst s10  }
0x35: {  	s10 =	sld [smem:$0x3FB9];
	_ =	sdelay $0x3  }
0x36: {  	p1 =	seq.s32 s10, $0x1;
	s10 =	sld [smem:$0x3FBA];
	_ =	sdelay $0x3  }
0x37: {  	[smem:$0x3FBA] =	sst s10  }
0x38: {  	s10 =	sld [smem:$0x3FBB]  }
0x39: {  	_ = 	snop;
	(pc) =	sbr.ind lr, $3  }
0x3a: {  	_ = 	snop  }
0x3b: {  	_ = 	snop  }
0x3c: {  	p2 =	seq.s32 s10, $0x1;
	s10 =	sld [smem:$0x3FBA]  }
0x3d: {  	_ =	shalt  }
0x3e: {  	_ =	shalt  }
0x3f: {  	_ =	shalt  }
0x40: {  	_ =	shalt  }
0x41: {  	_ =	shalt  }
0x42: {  	_ =	shalt  }
0x43: {  	_ =	shalt  }
0x44: {  	_ =	shalt  }
0x45: {  	_ =	shalt  }
0x46: {  	_ =	shalt  }
0x47: {  	_ =	shalt  }
0x48: {  	_ =	shalt  }
0x49: {  	_ =	shalt  }
0x4a: {  	_ =	shalt  }
0x4b: {  	_ =	shalt  }
0x4c: {  	_ =	shalt  }
0x4d: {  	_ =	shalt  }
0x4e: {  	_ =	shalt  }
0x4f: {  	_ =	shalt  }
0x50: {  	_ =	shalt  }
0x51: {  	_ =	shalt  }
0x52: {  	_ =	shalt  }
0x53: {  	_ =	shalt  }
0x54: {  	_ =	shalt  }
0x55: {  	_ =	shalt  }
0x56: {  	_ =	shalt  }
0x57: {  	_ =	shalt  }
0x58: {  	_ =	shalt  }
0x59: {  	_ =	shalt  }
0x5a: {  	_ =	shalt  }
0x5b: {  	_ =	shalt  }
0x5c: {  	_ =	shalt  }
0x5d: {  	_ =	shalt  }
0x5e: {  	_ =	shalt  }
0x5f: {  	_ =	shalt  }
0x60: {  	_ =	shalt  }
0x61: {  	_ =	shalt  }
0x62: {  	_ =	shalt  }
0x63: {  	_ =	shalt  }
0x64: {  	_ =	shalt  }
0x65: {  	_ =	shalt  }
0x66: {  	_ =	shalt  }
0x67: {  	_ =	shalt  }
0x68: {  	_ =	shalt  }
0x69: {  	_ =	shalt  }
0x6a: {  	_ =	shalt  }
0x6b: {  	_ =	shalt  }
0x6c: {  	_ =	shalt  }
0x6d: {  	_ =	shalt  }
0x6e: {  	_ =	shalt  }
0x6f: {  	_ =	shalt  }
0x70: {  	_ =	shalt  }
0x71: {  	_ =	shalt  }
0x72: {  	_ =	shalt  }
0x73: {  	_ =	shalt  }
0x74: {  	_ =	shalt  }
0x75: {  	_ =	shalt  }
0x76: {  	_ =	shalt  }
0x77: {  	_ =	shalt  }
0x78: {  	_ =	shalt  }
0x79: {  	_ =	shalt  }
0x7a: {  	_ =	shalt  }
0x7b: {  	_ =	shalt  }
0x7c: {  	_ =	shalt  }
0x7d: {  	_ =	shalt  }
0x7e: {  	_ =	shalt  }
0x7f: {  	_ =	shalt  }
0x80: {  	_ =	shalt  }
0x81: {  	_ =	shalt  }
0x82: {  	_ =	shalt  }
0x83: {  	_ =	shalt  }
0x84: {  	_ =	shalt  }
0x85: {  	_ =	shalt  }
0x86: {  	_ =	shalt  }
0x87: {  	_ =	shalt  }
.Lfunc_end0:
.L_simem_size_0:
called_computation.1_lowered:
.L_overlay_start_0:
0x88: {  	s2 =	sld [smem:$0x3FD9]  }
0x89: {  	s3 =	sld [smem:$0x3FFE];
	_ =	sdelay $0x1  }
0x8a: {  	s1 =	srdreg.scid  }
0x8b: {  	s0 =	sand.u32 $0x1, s1  }
0x8c: {  	s17 =	sshll.u32 s0, $0xA;
	s2 =	sadd.s32 s3, s2  }
0x8d: {  	s2 =	sadd.s32 s2, s17  }
0x8e: {  	[smem:$0x3FC6] =	sst s2  }
0x8f: {  	_ = 	snop  }
0x90: {  	s2 =	sld [smem:$0x3FC8]  }
0x91: {  	s18 =	sld [smem:$0x3FD0];
	(tm) =	ssettm $0x1  }
0x92: {  	s4 =	sld [smem:$0x3FFB];
	_ =	sdelay $0x3  }
0x93: {  	_ =	strace s4  }
0x94: {  	s4 =	sld [smem:$0x3FFC];
	_ =	sdelay $0x3  }
0x95: {  	_ =	strace s4  }
0x96: {  	s4 =	sld [smem:$0x3FFD];
	_ =	sdelay $0x3  }
0x97: {  	_ =	strace s4  }
0x98: {  	_ =	strace $0x8FFFFFFF  }
0x99: {  	s19 =	sld [smem:$0x3FDB];
	_ =	sdelay $0x1  }
0x9a: {  	s5 =	simm.s32 $_scs_section_size  }
0x9b: {  	s6 =	simm.s32 $_size__tile_overlayer_lowered;
	s7 =	simm.s32 $_tile_overlayer_lowered  }
0x9c: {  	s22 =	simm.s32 $0x1BFF;
	s21 =	sshll.u32 s7, $0x1;
	s4 =	sadd.s32 s5, s19  }
0x9d: {  	s8 =	simm.s32 $0x0;
	s20 =	sshll.u32 s6, $0x1;
	s6 =	sadd.s32 s21, s4  }
0x9e: {  	[timem:s8], [sflag:s22] =	dma.local [hbm:s6], s20  }
0x9f: {  	_ =	swait.ge [sflag:s22], s20  }
0xa0: {  	s5 =	ssub.s32 $0x0, s20;
	[sflag:s22] =	ssyncset.done $0x0  }
0xa1: {  	[sflag:s22] =	ssyncadd.s32 s5;
	_ =	sdelay $0x1  }
0xa2: {  	s23 =	simm.s32 $0x1B8B  }
0xa3: {  	_ =	swait.ge [sflag:s23], $0x1  }
0xa4: {  	[sflag:s23] =	ssyncset.done $0x0  }
0xa5: {  	s25 =	simm.s32 $0x1B8E;
	s24 =	sld [smem:$0x3FFE];
	[sflag:s23] =	ssyncadd.s32 $0xFFFFFFFF  }
0xa6: {  	s26 =	simm.s32 $execute0_lowered;
	[smem:$0x3FD2] =	sst s25  }
0xa7: {  	s6 =	sshll.u32 s26, $0x1;
	_ =	strace $0x80000046;
	[dreg:$0x1] =	wrdreg $0xFFFFFFFF  }
0xa8: {  	s28 =	simm.s32 $_size_execute0_lowered;
	s4 =	sadd.s32 s4, s6;
	[dreg:$0x0] =	wrdreg $0x0  }
0xa9: {  	s6 =	sshll.u32 s28, $0x1;
	[dreg:$0x2] =	wrdreg s4  }
0xaa: {  	[dreg:$0x3] =	wrdreg s6  }
0xab: {  	[dreg:$0x4] =	wrdreg $0xC0  }
0xac: {  	_ =	task [dreg:s8], $0x5FFFF  }
0xad: {  	[dreg:$0x1] =	wrdreg $0xFFFFFFFF  }
0xae: {  	[dreg:$0x0] =	wrdreg $0x60  }
0xaf: {  	[dreg:$0x2] =	wrdreg s24  }
0xb0: {  	[dreg:$0x3] =	wrdreg s2  }
0xb1: {  	[dreg:$0x4] =	wrdreg s18  }
0xb2: {  	[dreg:$0x5] =	wrdreg $0x9  }
0xb3: {  	_ =	task.clear_ibuf [dreg:s8], $0x6FFFF;
	_ =	strace $0x90000046  }
0xb4: {  	s29 =	simm.s32 $0x9;
	_ =	strace $0x80000048  }
0xb5: {  	_ =	swait.ge [sflag:s29], $0x1  }
0xb6: {  	[sflag:s29] =	ssyncadd.s32 $0xFFFFFFFF  }
0xb7: {  	_ =	strace $0x90000048  }
0xb8: {  	_ =	sfence  }
0xb9: {  	s30 =	sld [smem:$0x0];
	_ =	sdelay $0x2  }
0xba: {  	s31 =	sshll.u32 s1, $0xD;
	s1 =	sshrl.u32 s1, $0x2  }
0xbb: {  	s3 =	sand.u32 $0x4000, s31;
	s1 =	sadd.s32 s1, s30  }
0xbc: {  	s0 =	sor.u32 s3, s0;
	s1 =	sshll.u32 s1, $0x11  }
0xbd: {  	s0 =	sor.u32 s1, s0  }
0xbe: {  	s0 =	sadd.s32 $0x8F2B, s0  }
0xbf: {  	[sflag:s0] =	ssyncadd.remote.s32 $0x1  }
0xc0: {  	_ =	sfence.sel $0xFFFF  }
0xc1: {  	[dreg:$0x0] =	wrdreg $0xFFFFFFFF;
	(pc) =	sbr.abs _section_cstart, $3  }
0xc2: {  	[dreg:$0x1] =	wrdreg $0xFFFFFFFF  }
0xc3: {  	_ =	task.clear_ibuf [dreg:s8], $0x2FFFF;
	_ =	strace $0x9FFFFFFF  }
0xc4: {  	(tm) =	ssettm $0x7FFFFFFF  }
0xc5: {  	_ =	shalt  }
tec
execute0_lowered:
.L_overlay_start_1:
0x0: {  	(tag) =	ssettag $0x1  }
0x1: {  	s1 =	rddreg [dreg:$0x0]  }
0x2: {  	s2 =	rddreg [dreg:$0x1];
	s3 =	srdreg.scid  }
0x3: {  	s4 =	rddreg [dreg:$0x2];
	s5 =	sand.u32 $0x1, s3;
	s3 =	simm.s32 $0x0  }
0x4: {  	s25 =	simm.s32 $0x1480;
	[smem:$0x7FF] =	sst s3  }
0x5: {  	s26 =	simm.s32 $0x1C80;
	_ =	strace $0x80000047;
	[dreg:$0x5] =	wrdreg s25  }
0x6: {  	s31 =	simm.s32 $0x2480;
	[dreg:$0x6] =	wrdreg s26  }
0x7: {  	s8 =	simm.s32 $0x3C80;
	[dreg:$0x7] =	wrdreg s31  }
0x8: {  	s9 =	simm.s32 $0x4480;
	[dreg:$0xa] =	wrdreg s8  }
0x9: {  	s11 =	simm.s32 $0x4C80;
	[dreg:$0xb] =	wrdreg s9  }
0xa: {  	s12 =	simm.s32 $0x5480;
	[dreg:$0xc] =	wrdreg s11  }
0xb: {  	s13 =	simm.s32 $0x5C80;
	[dreg:$0xd] =	wrdreg s12  }
0xc: {  	s14 =	simm.s32 $0x6480;
	[dreg:$0xe] =	wrdreg s13  }
0xd: {  	s15 =	simm.s32 $0x6C80;
	[dreg:$0xf] =	wrdreg s14  }
0xe: {  	s0 =	stileid.u32;
	s16 =	simm.s32 $0x7480;
	[dreg:$0x10] =	wrdreg s15  }
0xf: {  	s17 =	simm.s32 $0x7C80;
	s19 =	simm.s32 $0x8480;
	[dreg:$0x11] =	wrdreg s16  }
0x10: {  	s20 =	simm.s32 $0x8C80;
	s22 =	simm.s32 $0x9480;
	[dreg:$0x12] =	wrdreg s17  }
0x11: {  	s23 =	simm.s32 $0x9C80;
	s24 =	simm.s32 $0xA480;
	[dreg:$0x13] =	wrdreg s19  }
0x12: {  	s28 =	simm.s32 $0x14480;
	s29 =	simm.s32 $0x1;
	[dreg:$0x14] =	wrdreg s20  }
0x13: {  	s30 =	simm.s32 $0x0;
	s6 =	smul.u32 $0xC8000, s0;
	[dreg:$0x15] =	wrdreg s22  }
0x14: {  	s10 =	sshll.u32 s0, $0x1;
	s7 =	smul.u32 $0x64000, s5;
	[dreg:$0x16] =	wrdreg s23  }
0x15: {  	s4 =	sadd.s32 s6, s4;
	s6 =	simm.s32 $0x2C80;
	[dreg:$0x17] =	wrdreg s24  }
0x16: {  	s25 =	simm.s32 $0xB480;
	s26 =	simm.s32 $0xBC80;
	s9 =	simm.s32 $0x2  }
0x17: {  	s31 =	simm.s32 $0xC480;
	s11 =	simm.s32 $0xAC80;
	s12 =	simm.s32 $0xCC80  }
0x18: {  	s13 =	simm.s32 $0xD480;
	s14 =	simm.s32 $0xDC80;
	s15 =	simm.s32 $0xE480  }
0x19: {  	s16 =	simm.s32 $0xEC80;
	s17 =	simm.s32 $0xF480;
	s19 =	simm.s32 $0x10480  }
0x1a: {  	s20 =	simm.s32 $0x10C80;
	s22 =	simm.s32 $0x11C80;
	[dreg:$0x8] =	wrdreg s6  }
0x1b: {  	s23 =	simm.s32 $0x12480;
	s24 =	simm.s32 $0x12C80;
	[dreg:$0x18] =	wrdreg s25  }
0x1c: {  	s4 =	sadd.s32 s7, s4;
	s7 =	simm.s32 $0x3480;
	[dreg:$0x19] =	wrdreg s26  }
0x1d: {  	s6 =	sor.u32 s5, s10;
	s5 =	ssub.s32 $0x2, s5;
	[dreg:$0x1a] =	wrdreg s31  }
0x1e: {  	s10 =	simm.s32 $0xC80;
	[dreg:$0x4] =	wrdreg s4;
	s6 =	smul.u32 $0xC80, s6  }
0x1f: {  	s25 =	simm.s32 $0x13480;
	s26 =	simm.s32 $0x13C80;
	[dreg:$0x9] =	wrdreg s7  }
0x20: {  	s18 =	sshrl.u32 s5, $0x1;
	s7 =	sadd.s32 $0x300, s2;
	s6 =	sshrl.u32 s6, $0x3  }
0x21: {  	v2 =	vlaneseq.u32;
	s8 =	ssub.s32 s5, s18;
	s5 =	sadd.s32 $0x100, s2;
	s1 =	sadd.s32 s6, s1  }
0x22: {  	vm0 =	vmmov $0xffff;
	v1 =	vshrl.u32 v2, $0x3;
	s18 =	simm.s32 $0xFC80;
	s8 =	smax.u32 s8, $0x1;
	s21 =	sadd.s32 $0x800, s1  }
0x23: {  	v0 =	vand.u32 $0x7, v2;
	v2 =	vor.u32 $0x8, v2;
	v1 =	vmul.u32 $0x8, v1;
	s6 =	sadd.s32 $0x200, s2;
	[dreg:$0x1b] =	wrdreg s21;
	s21 =	simm.s32 $0x11480  }
.LBB2_1:
0x24: {  	s0 =	rddreg [dreg:$0x1b]  }
0x25: {  	[tilespmem:s3], [sflag:$0x2] =	stream.linear.gather [hbm4b:s0+s3], $0xC80, $0x38;
	[tilespmem:$0x14C80] =	vst v63  }
0x26: {  	_ =	swait.ge [sflag:s9], $0xC80  }
0x27: {  	[sflag:s9] =	ssyncset.done $0x0  }
0x28: {  	s31 =	simm.s32 $0x28;
	s1 =	simm.s32 $0x0;
	[sflag:s9] =	ssyncadd.s32 $0xFFFFF380  }
.LBB2_2:
0x29: {  	v3 =	vld [tilespmem:s31+$0xFFFFFFD8];
	_ =	sdelay $0x4  }
0x2a: {  	v4 =	vshll.u32 v3, $0x3  }
0x2b: {  	v3 =	vand.u32 $0x7, v3;
	v4 =	vand.u32 $0xFFFFFFC0, v4  }
0x2c: {  	v3 =	vor.u32 v3, v4  }
0x2d: {  	v4 =	vperm.xlane v3, v0;
	_ =	sdelay $0x1  }
0x2e: {  	v4 =	vadd.s32 v1, v4;
	_ =	sdelay $0x4  }
0x2f: {  	[tilespmem:s10], [sflag:$0x1] =	stream.indirect_vreg.gather [hbm4b:s2+s3], $0x80, v4, vm0, $0xb8;
	[tilespmem:$0x14C80] =	vst v63  }
0x30: {  	s0 =	rddreg [dreg:$0x5];
	v3 =	vperm.xlane v3, v2  }
0x31: {  	[tilespmem:s0], [sflag:$0x1] =	stream.indirect_vreg.gather [hbm4b:s5+s3], $0x80, v4, vm0, $0xb8;
	[tilespmem:$0x14C80] =	vst v63  }
0x32: {  	s4 =	rddreg [dreg:$0x6];
	v3 =	vadd.s32 v1, v3  }
0x33: {  	[tilespmem:s4], [sflag:$0x1] =	stream.indirect_vreg.gather [hbm4b:s6+s3], $0x80, v4, vm0, $0xb8;
	[tilespmem:$0x14C80] =	vst v63  }
0x34: {  	s0 =	rddreg [dreg:$0x7]  }
0x35: {  	[tilespmem:s0], [sflag:$0x1] =	stream.indirect_vreg.gather [hbm4b:s7+s3], $0x80, v4, vm0, $0xb8;
	[tilespmem:$0x14C80] =	vst v63  }
0x36: {  	s4 =	rddreg [dreg:$0x8]  }
0x37: {  	[tilespmem:s4], [sflag:$0x1] =	stream.indirect_vreg.gather [hbm4b:s2+s3], $0x80, v3, vm0, $0xb8;
	[tilespmem:$0x14C80] =	vst v63  }
0x38: {  	s0 =	rddreg [dreg:$0x9]  }
0x39: {  	[tilespmem:s0], [sflag:$0x1] =	stream.indirect_vreg.gather [hbm4b:s5+s3], $0x80, v3, vm0, $0xb8;
	[tilespmem:$0x14C80] =	vst v63  }
0x3a: {  	s4 =	rddreg [dreg:$0xa]  }
0x3b: {  	[tilespmem:s4], [sflag:$0x1] =	stream.indirect_vreg.gather [hbm4b:s6+s3], $0x80, v3, vm0, $0xb8;
	[tilespmem:$0x14C80] =	vst v63  }
0x3c: {  	s0 =	rddreg [dreg:$0xb]  }
0x3d: {  	[tilespmem:s0], [sflag:$0x1] =	stream.indirect_vreg.gather [hbm4b:s7+s3], $0x80, v3, vm0, $0xb8;
	[tilespmem:$0x14C80] =	vst v63  }
0x3e: {  	v3 =	vld [tilespmem:s31+$0xFFFFFFE8];
	_ =	sdelay $0x4  }
0x3f: {  	v59 =	vshll.u32 v3, $0x3  }
0x40: {  	v3 =	vand.u32 $0x7, v3;
	v4 =	vand.u32 $0xFFFFFFC0, v59  }
0x41: {  	v3 =	vor.u32 v3, v4  }
0x42: {  	v4 =	vperm.xlane v3, v0;
	_ =	sdelay $0x1  }
0x43: {  	v4 =	vadd.s32 v1, v4;
	_ =	sdelay $0x3  }
0x44: {  	s0 =	rddreg [dreg:$0xc]  }
0x45: {  	[tilespmem:s0], [sflag:$0x1] =	stream.indirect_vreg.gather [hbm4b:s2+s3], $0x80, v4, vm0, $0xb8;
	[tilespmem:$0x14C80] =	vst v63  }
0x46: {  	s4 =	rddreg [dreg:$0xd];
	v3 =	vperm.xlane v3, v2  }
0x47: {  	[tilespmem:s4], [sflag:$0x1] =	stream.indirect_vreg.gather [hbm4b:s5+s3], $0x80, v4, vm0, $0xb8;
	[tilespmem:$0x14C80] =	vst v63  }
0x48: {  	v3 =	vadd.s32 v1, v3;
	s0 =	rddreg [dreg:$0xe]  }
0x49: {  	[tilespmem:s0], [sflag:$0x1] =	stream.indirect_vreg.gather [hbm4b:s6+s3], $0x80, v4, vm0, $0xb8;
	[tilespmem:$0x14C80] =	vst v63  }
0x4a: {  	s4 =	rddreg [dreg:$0xf]  }
0x4b: {  	[tilespmem:s4], [sflag:$0x1] =	stream.indirect_vreg.gather [hbm4b:s7+s3], $0x80, v4, vm0, $0xb8;
	[tilespmem:$0x14C80] =	vst v63  }
0x4c: {  	s0 =	rddreg [dreg:$0x10]  }
0x4d: {  	[tilespmem:s0], [sflag:$0x1] =	stream.indirect_vreg.gather [hbm4b:s2+s3], $0x80, v3, vm0, $0xb8;
	[tilespmem:$0x14C80] =	vst v63  }
0x4e: {  	s4 =	rddreg [dreg:$0x11]  }
0x4f: {  	[tilespmem:s4], [sflag:$0x1] =	stream.indirect_vreg.gather [hbm4b:s5+s3], $0x80, v3, vm0, $0xb8;
	[tilespmem:$0x14C80] =	vst v63  }
0x50: {  	s0 =	rddreg [dreg:$0x12]  }
0x51: {  	[tilespmem:s0], [sflag:$0x1] =	stream.indirect_vreg.gather [hbm4b:s6+s3], $0x80, v3, vm0, $0xb8;
	[tilespmem:$0x14C80] =	vst v63  }
0x52: {  	s4 =	rddreg [dreg:$0x13]  }
0x53: {  	[tilespmem:s4], [sflag:$0x1] =	stream.indirect_vreg.gather [hbm4b:s7+s3], $0x80, v3, vm0, $0xb8;
	[tilespmem:$0x14C80] =	vst v63  }
0x54: {  	v3 =	vld.msk [tilespmem:s31+$0xFFFFFFF8], $0xff;
	_ =	sdelay $0x4  }
0x55: {  	v60 =	vshll.u32 v3, $0x3  }
0x56: {  	v3 =	vand.u32 $0x7, v3;
	v4 =	vand.u32 $0xFFFFFFC0, v60  }
0x57: {  	v3 =	vor.u32 v3, v4  }
0x58: {  	v3 =	vperm.xlane v3, v0;
	_ =	sdelay $0x1  }
0x59: {  	v3 =	vadd.s32 v1, v3;
	_ =	sdelay $0x3  }
0x5a: {  	s0 =	rddreg [dreg:$0x14]  }
0x5b: {  	[tilespmem:s0], [sflag:$0x1] =	stream.indirect_vreg.gather [hbm4b:s2+s3], $0x80, v3, vm0, $0xb8;
	[tilespmem:$0x14C80] =	vst v63  }
0x5c: {  	s4 =	rddreg [dreg:$0x15]  }
0x5d: {  	[tilespmem:s4], [sflag:$0x1] =	stream.indirect_vreg.gather [hbm4b:s5+s3], $0x80, v3, vm0, $0xb8;
	[tilespmem:$0x14C80] =	vst v63  }
0x5e: {  	s0 =	rddreg [dreg:$0x16]  }
0x5f: {  	[tilespmem:s0], [sflag:$0x1] =	stream.indirect_vreg.gather [hbm4b:s6+s3], $0x80, v3, vm0, $0xb8;
	[tilespmem:$0x14C80] =	vst v63  }
0x60: {  	s4 =	rddreg [dreg:$0x17]  }
0x61: {  	[tilespmem:s4], [sflag:$0x1] =	stream.indirect_vreg.gather [hbm4b:s7+s3], $0x80, v3, vm0, $0xb8;
	[tilespmem:$0x14C80] =	vst v63  }
0x62: {  	v3 =	vld [tilespmem:s31+$0x0];
	_ =	sdelay $0x4  }
0x63: {  	v61 =	vshll.u32 v3, $0x3  }
0x64: {  	v3 =	vand.u32 $0x7, v3;
	v4 =	vand.u32 $0xFFFFFFC0, v61  }
0x65: {  	v3 =	vor.u32 v3, v4  }
0x66: {  	v4 =	vperm.xlane v3, v0;
	_ =	sdelay $0x1  }
0x67: {  	v4 =	vadd.s32 v1, v4;
	_ =	sdelay $0x4  }
0x68: {  	[tilespmem:s11], [sflag:$0x1] =	stream.indirect_vreg.gather [hbm4b:s2+s3], $0x80, v4, vm0, $0xb8;
	[tilespmem:$0x14C80] =	vst v63  }
0x69: {  	s0 =	rddreg [dreg:$0x18];
	v3 =	vperm.xlane v3, v2  }
0x6a: {  	[tilespmem:s0], [sflag:$0x1] =	stream.indirect_vreg.gather [hbm4b:s5+s3], $0x80, v4, vm0, $0xb8;
	[tilespmem:$0x14C80] =	vst v63  }
0x6b: {  	s4 =	rddreg [dreg:$0x19];
	v3 =	vadd.s32 v1, v3  }
0x6c: {  	[tilespmem:s4], [sflag:$0x1] =	stream.indirect_vreg.gather [hbm4b:s6+s3], $0x80, v4, vm0, $0xb8;
	[tilespmem:$0x14C80] =	vst v63  }
0x6d: {  	s0 =	rddreg [dreg:$0x1a]  }
0x6e: {  	[tilespmem:s0], [sflag:$0x1] =	stream.indirect_vreg.gather [hbm4b:s7+s3], $0x80, v4, vm0, $0xb8;
	[tilespmem:$0x14C80] =	vst v63  }
0x6f: {  	_ = 	snop  }
0x70: {  	[tilespmem:s12], [sflag:$0x1] =	stream.indirect_vreg.gather [hbm4b:s2+s3], $0x80, v3, vm0, $0xb8;
	[tilespmem:$0x14C80] =	vst v63  }
0x71: {  	_ = 	snop  }
0x72: {  	[tilespmem:s13], [sflag:$0x1] =	stream.indirect_vreg.gather [hbm4b:s5+s3], $0x80, v3, vm0, $0xb8;
	[tilespmem:$0x14C80] =	vst v63  }
0x73: {  	_ = 	snop  }
0x74: {  	[tilespmem:s14], [sflag:$0x1] =	stream.indirect_vreg.gather [hbm4b:s6+s3], $0x80, v3, vm0, $0xb8;
	[tilespmem:$0x14C80] =	vst v63  }
0x75: {  	_ = 	snop  }
0x76: {  	[tilespmem:s15], [sflag:$0x1] =	stream.indirect_vreg.gather [hbm4b:s7+s3], $0x80, v3, vm0, $0xb8;
	[tilespmem:$0x14C80] =	vst v63  }
0x77: {  	v3 =	vld [tilespmem:s31+$0x10];
	_ =	sdelay $0x4  }
0x78: {  	v62 =	vshll.u32 v3, $0x3  }
0x79: {  	v3 =	vand.u32 $0x7, v3;
	v4 =	vand.u32 $0xFFFFFFC0, v62  }
0x7a: {  	v3 =	vor.u32 v3, v4  }
0x7b: {  	v4 =	vperm.xlane v3, v0;
	_ =	sdelay $0x1  }
0x7c: {  	v4 =	vadd.s32 v1, v4;
	_ =	sdelay $0x4  }
0x7d: {  	[tilespmem:s16], [sflag:$0x1] =	stream.indirect_vreg.gather [hbm4b:s2+s3], $0x80, v4, vm0, $0xb8;
	[tilespmem:$0x14C80] =	vst v63  }
0x7e: {  	v3 =	vperm.xlane v3, v2  }
0x7f: {  	[tilespmem:s17], [sflag:$0x1] =	stream.indirect_vreg.gather [hbm4b:s5+s3], $0x80, v4, vm0, $0xb8;
	[tilespmem:$0x14C80] =	vst v63  }
0x80: {  	v3 =	vadd.s32 v1, v3  }
0x81: {  	[tilespmem:s18], [sflag:$0x1] =	stream.indirect_vreg.gather [hbm4b:s6+s3], $0x80, v4, vm0, $0xb8;
	[tilespmem:$0x14C80] =	vst v63  }
0x82: {  	_ = 	snop  }
0x83: {  	[tilespmem:s19], [sflag:$0x1] =	stream.indirect_vreg.gather [hbm4b:s7+s3], $0x80, v4, vm0, $0xb8;
	[tilespmem:$0x14C80] =	vst v63  }
0x84: {  	_ = 	snop  }
0x85: {  	[tilespmem:s20], [sflag:$0x1] =	stream.indirect_vreg.gather [hbm4b:s2+s3], $0x80, v3, vm0, $0xb8;
	[tilespmem:$0x14C80] =	vst v63  }
0x86: {  	_ = 	snop  }
0x87: {  	[tilespmem:s21], [sflag:$0x1] =	stream.indirect_vreg.gather [hbm4b:s5+s3], $0x80, v3, vm0, $0xb8;
	[tilespmem:$0x14C80] =	vst v63  }
0x88: {  	_ = 	snop  }
0x89: {  	[tilespmem:s22], [sflag:$0x1] =	stream.indirect_vreg.gather [hbm4b:s6+s3], $0x80, v3, vm0, $0xb8;
	[tilespmem:$0x14C80] =	vst v63  }
0x8a: {  	_ = 	snop  }
0x8b: {  	[tilespmem:s23], [sflag:$0x1] =	stream.indirect_vreg.gather [hbm4b:s7+s3], $0x80, v3, vm0, $0xb8;
	[tilespmem:$0x14C80] =	vst v63  }
0x8c: {  	v3 =	vld.msk [tilespmem:s31+$0x20], $0xff;
	_ =	sdelay $0x4  }
0x8d: {  	v63 =	vshll.u32 v3, $0x3  }
0x8e: {  	v3 =	vand.u32 $0x7, v3;
	v4 =	vand.u32 $0xFFFFFFC0, v63  }
0x8f: {  	v3 =	vor.u32 v3, v4  }
0x90: {  	v3 =	vperm.xlane v3, v0;
	_ =	sdelay $0x1  }
0x91: {  	v3 =	vadd.s32 v1, v3;
	_ =	sdelay $0x4  }
0x92: {  	[tilespmem:s24], [sflag:$0x1] =	stream.indirect_vreg.gather [hbm4b:s2+s3], $0x80, v3, vm0, $0xb8;
	[tilespmem:$0x14C80] =	vst v63  }
0x93: {  	_ = 	snop  }
0x94: {  	[tilespmem:s25], [sflag:$0x1] =	stream.indirect_vreg.gather [hbm4b:s5+s3], $0x80, v3, vm0, $0xb8;
	[tilespmem:$0x14C80] =	vst v63  }
0x95: {  	_ = 	snop  }
0x96: {  	[tilespmem:s26], [sflag:$0x1] =	stream.indirect_vreg.gather [hbm4b:s6+s3], $0x80, v3, vm0, $0xb8;
	[tilespmem:$0x14C80] =	vst v63  }
0x97: {  	_ = 	snop  }
0x98: {  	[tilespmem:s28], [sflag:$0x1] =	stream.indirect_vreg.gather [hbm4b:s7+s3], $0x80, v3, vm0, $0xb8;
	[tilespmem:$0x14C80] =	vst v63  }
0x99: {  	_ =	swait.ge [sflag:s29], $0xA000  }
0x9a: {  	s4 =	rddreg [dreg:$0x4];
	[sflag:s29] =	ssyncset.done $0x0  }
0x9b: {  	[sflag:s29] =	ssyncadd.s32 $0xFFFF6000;
	s0 =	sadd.s32 s1, s4  }
0x9c: {  	[hbm4b:s0+s3] =	stream.linear.scatter [tilespmem:s10], [sflag:$0x2], $0xA000, $0x38;
	[tilespmem:$0x14C80] =	vst v63  }
0x9d: {  	_ =	swait.ge [sflag:s9], $0xA000  }
0x9e: {  	[sflag:s9] =	ssyncset.done $0x0  }
0x9f: {  	[sflag:s9] =	ssyncadd.s32 $0xFFFF6000  }
0xa0: {  	_ =	swait.ge [sflag:s29], $0xA000  }
0xa1: {  	p0 =	sne.s32 s1, $0x61800;
	[sflag:s29] =	ssyncset.done $0x0  }
.Ltmp0:
0xa2: {  	s0 =	sadd.s32 $0x1400, s0;
	[sflag:s29] =	ssyncadd.s32 $0xFFFF6000;
	(pc) =	sbr.rel @p0 .LBB2_2-.Ltmp0, $4  }
0xa3: {  	[hbm4b:s0+s3] =	stream.linear.scatter [tilespmem:s11], [sflag:$0x2], $0xA000, $0x38;
	[tilespmem:$0x14C80] =	vst v63  }
0xa4: {  	_ =	swait.ge [sflag:s9], $0xA000  }
0xa5: {  	[sflag:s9] =	ssyncset.done $0x0  }
0xa6: {  	s31 =	sadd.s32 $0x50, s31;
	s1 =	sadd.s32 $0x2800, s1;
	[sflag:s9] =	ssyncadd.s32 $0xFFFF6000  }
0xa7: {  	s30 =	sadd.s32 $0x1, s30  }
0xa8: {  	p0 =	sne.s32 s30, s8  }
.Ltmp1:
0xa9: {  	_ = 	snop;
	(pc) =	sbr.rel @p0 .LBB2_1-.Ltmp1, $1  }
0xaa: {  	_ =	sdelay $0x3  }
0xab: {  	_ =	sfence.sel $0x180000  }
0xac: {  	[bflag:$0x0] =	sbarrier.arrive $0xFFFF  }
0xad: {  	_ =	strace $0x90000047  }
0xae: {  	s0 =	stileid.u32;
	[bflag:$0x2] =	sbarrier.arrive $0xFFFF  }
0xaf: {  	p0 =	sne.s32 s0, $0x0;
	s0 =	rddreg [dreg:$0x3]  }
0xb0: {  	s0 =	sadd.s32 @!p0 $0x100000, s0  }
0xb1: {  	[sflag:s0] =	ssyncadd.tile.s32 @!p0 $0x1;
	_ =	shalt  }
.Lfunc_end2:
_tile_overlayer_lowered:
.L_overlay_start_2:
0xb2: {  	(tag) =	ssettag $0x2  }
0xb3: {  	s0 =	rddreg [dreg:$0x0];
	s2 =	stileid.u32  }
0xb4: {  	s1 =	rddreg [dreg:$0x1];
	p0 =	sne.s32 s2, $0x0  }
0xb5: {  	s3 =	rddreg [dreg:$0x2];
	[bflag:$0x3] =	sbarrier.arrive $0xFFFF;
	s2 =	simm.s32 @!p0 $0x1C02  }
0xb6: {  	[timem:s3], [sflag:s2] =	dma.local @!p0 [hbm:s0], s1  }
0xb7: {  	s0 =	simm.s32 @!p0 $0x2  }
0xb8: {  	_ =	swait.ge @!p0 [sflag:s0], s1  }
0xb9: {  	s1 =	ssub.s32 @!p0 $0x0, s1;
	[sflag:s0] =	ssyncset.done @!p0 $0x0  }
0xba: {  	[sflag:s0] =	ssyncadd.s32 @!p0 s1  }
0xbb: {  	[bflag:$0x3] =	sbarrier.arrive $0xFFFF  }
0xbc: {  	_ =	shalt  }

// kernel: sparse-core-data-format-call.cloned.1.call-start
scs
called_computation_lowered:
.L_overlay_start_0:
0x0: {  	s2 =	sld [smem:$0x3FD9]  }
0x1: {  	s3 =	sld [smem:$0x3FFE];
	_ =	sdelay $0x1  }
0x2: {  	s1 =	srdreg.scid  }
0x3: {  	s0 =	sand.u32 $0x1, s1  }
0x4: {  	s18 =	sshll.u32 s0, $0xA;
	s2 =	sadd.s32 s3, s2  }
0x5: {  	s2 =	sadd.s32 s2, s18  }
0x6: {  	[smem:$0x3FC6] =	sst s2  }
0x7: {  	_ = 	snop  }
0x8: {  	s2 =	sld [smem:$0x3FD0];
	(tm) =	ssettm $0x1  }
0x9: {  	s19 =	sld [smem:$0x3FFB];
	_ =	sdelay $0x3  }
0xa: {  	_ =	strace s19  }
0xb: {  	s3 =	sld [smem:$0x3FFC];
	_ =	sdelay $0x3  }
0xc: {  	_ =	strace s3  }
0xd: {  	s3 =	sld [smem:$0x3FFD];
	_ =	sdelay $0x3  }
0xe: {  	_ =	strace s3  }
0xf: {  	_ =	strace $0x8FFFFFFF  }
0x10: {  	s20 =	sld [smem:$0x3FDB];
	_ =	sdelay $0x1  }
0x11: {  	s4 =	simm.s32 $_scs_section_size  }
0x12: {  	s5 =	simm.s32 $_size__tile_overlayer_lowered;
	s6 =	simm.s32 $_tile_overlayer_lowered  }
0x13: {  	s23 =	simm.s32 $0x1BFF;
	s22 =	sshll.u32 s6, $0x1;
	s3 =	sadd.s32 s4, s20  }
0x14: {  	s7 =	simm.s32 $0x0;
	s21 =	sshll.u32 s5, $0x1;
	s5 =	sadd.s32 s22, s3  }
0x15: {  	[timem:s7], [sflag:s23] =	dma.local [hbm:s5], s21  }
0x16: {  	_ =	swait.ge [sflag:s23], s21  }
0x17: {  	s4 =	ssub.s32 $0x0, s21;
	[sflag:s23] =	ssyncset.done $0x0  }
0x18: {  	[sflag:s23] =	ssyncadd.s32 s4;
	_ =	sdelay $0x1  }
0x19: {  	s24 =	simm.s32 $0x1B8B  }
0x1a: {  	_ =	swait.ge [sflag:s24], $0x1  }
0x1b: {  	[sflag:s24] =	ssyncset.done $0x0  }
0x1c: {  	s26 =	simm.s32 $0x1B8E;
	s25 =	sld [smem:$0x3FFE];
	[sflag:s24] =	ssyncadd.s32 $0xFFFFFFFF  }
0x1d: {  	s27 =	simm.s32 $execute0_lowered;
	[smem:$0x3FD2] =	sst s26  }
0x1e: {  	s5 =	sshll.u32 s27, $0x1;
	_ =	strace $0x80000049;
	[dreg:$0x1] =	wrdreg $0xFFFFFFFF  }
0x1f: {  	s28 =	simm.s32 $_size_execute0_lowered;
	s3 =	sadd.s32 s3, s5;
	[dreg:$0x0] =	wrdreg $0x0  }
0x20: {  	s5 =	sshll.u32 s28, $0x1;
	[dreg:$0x2] =	wrdreg s3  }
0x21: {  	[dreg:$0x3] =	wrdreg s5  }
0x22: {  	[dreg:$0x4] =	wrdreg $0xC0  }
0x23: {  	_ =	task [dreg:s7], $0x5FFFF  }
0x24: {  	[dreg:$0x1] =	wrdreg $0xFFFFFFFF  }
0x25: {  	[dreg:$0x0] =	wrdreg $0x60  }
0x26: {  	[dreg:$0x2] =	wrdreg s25  }
0x27: {  	[dreg:$0x3] =	wrdreg s2  }
0x28: {  	[dreg:$0x4] =	wrdreg $0x9  }
0x29: {  	_ =	task.clear_ibuf [dreg:s7], $0x5FFFF;
	_ =	strace $0x90000049  }
0x2a: {  	s29 =	simm.s32 $0x9;
	_ =	strace $0x8000004B  }
0x2b: {  	_ =	swait.ge [sflag:s29], $0x1  }
0x2c: {  	[sflag:s29] =	ssyncadd.s32 $0xFFFFFFFF  }
0x2d: {  	_ =	strace $0x9000004B  }
0x2e: {  	_ =	sfence  }
0x2f: {  	s30 =	sld [smem:$0x0];
	_ =	sdelay $0x2  }
0x30: {  	s31 =	sshll.u32 s1, $0xD;
	s1 =	sshrl.u32 s1, $0x2  }
0x31: {  	s3 =	sand.u32 $0x4000, s31;
	s1 =	sadd.s32 s1, s30  }
0x32: {  	s0 =	sor.u32 s3, s0;
	s1 =	sshll.u32 s1, $0x11  }
0x33: {  	s0 =	sor.u32 s1, s0  }
0x34: {  	s0 =	sadd.s32 $0x8F2B, s0  }
0x35: {  	[sflag:s0] =	ssyncadd.remote.s32 $0x1  }
0x36: {  	_ =	sfence.sel $0xFFFF  }
0x37: {  	[dreg:$0x0] =	wrdreg $0xFFFFFFFF;
	(pc) =	sbr.abs _section_cstart, $3  }
0x38: {  	[dreg:$0x1] =	wrdreg $0xFFFFFFFF  }
0x39: {  	_ =	task.clear_ibuf [dreg:s7], $0x2FFFF;
	_ =	strace $0x9FFFFFFF  }
0x3a: {  	(tm) =	ssettm $0x7FFFFFFF  }
0x3b: {  	_ =	shalt  }
tec
execute0_lowered:
.L_overlay_start_1:
0x0: {  	(tag) =	ssettag $0x1  }
0x1: {  	s0 =	stileid.u32;
	s1 =	srdreg.scid  }
0x2: {  	s2 =	sshll.u32 s0, $0x7;
	s3 =	sshll.u32 s0, $0x4;
	s4 =	sshll.u32 s1, $0x8  }
0x3: {  	s7 =	rddreg [dreg:$0x0];
	s1 =	sand.u32 $0x380, s2;
	s29 =	sor.u32 s3, s4  }
0x4: {  	s8 =	simm.s32 $0x2;
	s2 =	sand.u32 $0x180, s29;
	s30 =	ssub.s32 $0x400, s1  }
0x5: {  	s15 =	simm.s32 $0x0;
	s31 =	sand.u32 $0x380, s30;
	s5 =	ssub.s32 $0x400, s2  }
0x6: {  	s4 =	simm.s32 $0x1;
	p0 =	sne.s32 s31, $0x0;
	s6 =	sand.u32 $0x180, s5  }
0x7: {  	s4 =	simm.s32 @!p0 $0x0;
	p0 =	sne.s32 s6, $0x0;
	s6 =	simm.s32 $0x1  }
0x8: {  	s3 =	sshrl.u32 s30, $0xA;
	s5 =	sshrl.u32 s5, $0x9;
	s6 =	simm.s32 @!p0 $0x0  }
0x9: {  	s9 =	simm.s32 $0x2000;
	s3 =	sadd.s32 s4, s3;
	s5 =	sadd.s32 s6, s5  }
0xa: {  	s10 =	simm.s32 $0x0;
	s16 =	simm.s32 $0x0;
	s6 =	smul.u32 s5, s3  }
.Ltmp0:
0xb: {  	s17 =	simm.s32 $0x0;
	s4 =	rddreg [dreg:$0x1];
	(pc) =	sbr.rel .LBB1_1-.Ltmp0, $4  }
0xc: {  	s12 =	simm.s32 $0x0;
	s14 =	simm.s32 $0x0;
	s3 =	rddreg [dreg:$0x2]  }
0xd: {  	_ =	strace $0x8000004A;
	s5 =	simm.s32 $0x1;
	s6 =	smul.u32 $0x64, s6  }
0xe: {  	s7 =	sadd.s32 $0x800, s7;
	s13 =	smov.u32 s1;
	[sflag:s5] =	ssyncpa.u1 $0x0  }
0xf: {  	s11 =	smov.u32 s2;
	[sflag:s8] =	ssyncpa.u1 $0x0;
	s8 =	sor.u32 $0x1, s6  }
.LBB1_4:
0x10: {  	_ =	sdelay $0x3  }
0x11: {  	[tilespmem:v0+s20+$0xFFFFFFD0 ss:$0x1] =	vst.idx.msk $0xffff, v6  }
0x12: {  	v56 =	vld.idx.msk [tilespmem:v1+s19+$0x0 ss:$0x1], $0xffff;
	[tilespmem:v0+s20+$0xFFFFFFE0 ss:$0x1] =	vst.idx.msk $0xffff, v4  }
0x13: {  	v57 =	vld.idx.msk [tilespmem:v1+s19+$0xFFFFFF90 ss:$0x1], $0xffff;
	[tilespmem:v0+s20+$0xFFFFFFF0 ss:$0x1] =	vst.idx.msk $0xffff, v2  }
0x14: {  	v58 =	vld.idx.msk [tilespmem:v1+s19+$0xFFFFFFA0 ss:$0x1], $0xffff;
	[tilespmem:v0+s20+$0x0 ss:$0x1] =	vst.idx.msk $0xffff, v3  }
0x15: {  	v59 =	vld.idx.msk [tilespmem:v1+s19+$0xFFFFFFB0 ss:$0x1], $0xffff;
	[tilespmem:v0+s20+$0x10 ss:$0x1] =	vst.idx.msk $0xffff, v5  }
0x16: {  	v60 =	vld.idx.msk [tilespmem:v1+s19+$0xFFFFFFC0 ss:$0x1], $0xffff;
	[tilespmem:v0+s20+$0x20 ss:$0x1] =	vst.idx.msk $0xffff, v7  }
0x17: {  	v61 =	vld.idx.msk [tilespmem:v1+s19+$0xFFFFFFD0 ss:$0x1], $0xffff;
	[tilespmem:v0+s19+$0x30 ss:$0x1] =	vst.idx.msk $0xffff, v56  }
0x18: {  	v62 =	vld.idx.msk [tilespmem:v1+s19+$0xFFFFFFE0 ss:$0x1], $0xffff;
	[tilespmem:v0+s19+$0xFFFFFFC0 ss:$0x1] =	vst.idx.msk $0xffff, v57  }
0x19: {  	v63 =	vld.idx.msk [tilespmem:v1+s19+$0xFFFFFFF0 ss:$0x1], $0xffff;
	s17 =	sshll.u32 s17, $0x7;
	[tilespmem:v0+s19+$0xFFFFFFD0 ss:$0x1] =	vst.idx.msk $0xffff, v58  }
0x1a: {  	s30 =	sand.u32 $0x78, s15;
	s16 =	sshll.u32 s16, $0x11;
	s21 =	sand.u32 $0x380, s17;
	[tilespmem:v0+s19+$0xFFFFFFE0 ss:$0x1] =	vst.idx.msk $0xffff, v59  }
0x1b: {  	s31 =	sand.u32 $0x7, s15;
	s17 =	sand.u32 $0x1FC00, s17;
	s20 =	sor.u32 s21, s30;
	[tilespmem:v0+s19+$0xFFFFFFF0 ss:$0x1] =	vst.idx.msk $0xffff, v60  }
0x1c: {  	s16 =	sadd.s32 s4, s16;
	s17 =	sadd.s32 s15, s17;
	s20 =	sshrl.u32 s20, $0x3;
	[tilespmem:v0+s19+$0x0 ss:$0x1] =	vst.idx.msk $0xffff, v61  }
0x1d: {  	s15 =	sshll.u32 s31, $0x12;
	s17 =	sand.u32 $0x1FF80, s17;
	s16 =	sadd.s32 s20, s16;
	[tilespmem:v0+s19+$0x10 ss:$0x1] =	vst.idx.msk $0xffff, v62  }
0x1e: {  	s15 =	sor.u32 $0x400, s15;
	[tilespmem:v0+s19+$0x20 ss:$0x1] =	vst.idx.msk $0xffff, v63;
	s16 =	sadd.s32 s17, s16  }
0x1f: {  	[hbm4b:s16+s15] =	stream.strided.scatter [tilespmem:s18], [sflag:$0x2], $0x4000, s9, s15, $0x38;
	[tilespmem:$0x10000] =	vst v63  }
.LBB1_5:
0x20: {  	s18 =	sadd.s32 $0x200, s11  }
0x21: {  	s15 =	simm.s32 $0x1;
	p1 =	sgt.s32 s18, $0x3FF  }
0x22: {  	s15 =	simm.s32 @!p1 $0x0  }
0x23: {  	s19 =	sadd.s32 s15, s12  }
0x24: {  	s21 =	smov.u32 s13;
	s15 =	sadd.s32 $0x400, s13;
	p2 =	sgt.s32 s19, $0x63  }
0x25: {  	s21 =	smov.u32 @p2 s15  }
0x26: {  	p0 =	slt.u32 s14, $0x2;
	s18 =	smov.u32 @p1 s2;
	p1 =	sgt.s32 s21, $0x3FF  }
0x27: {  	s20 =	simm.s32 @!p0 $0x2;
	s21 =	smov.u32 @p1 s1;
	p1 =	sne.s32 s14, s8  }
.Ltmp1:
0x28: {  	_ =	swait.ge @!p0 [sflag:s20], $0x4000;
	(pc) =	sbr.rel @!p1 .LBB1_6-.Ltmp1, $4  }
0x29: {  	s16 =	smov.u32 s12;
	[sflag:s20] =	ssyncset.done @!p0 $0x0  }
0x2a: {  	s17 =	smov.u32 s13;
	s10 =	sadd.s32 $0x4000, s10;
	[sflag:s20] =	ssyncadd.s32 @!p0 $0xFFFFC000  }
0x2b: {  	s19 =	simm.s32 @p2 $0x0;
	s15 =	smov.u32 s11;
	s11 =	smov.u32 s18  }
0x2c: {  	s12 =	smov.u32 s19;
	s14 =	sadd.s32 $0x1, s14;
	s13 =	smov.u32 s21  }
.LBB1_1:
0x2d: {  	p0 =	sge.u32 s14, s6  }
0x2e: {  	s18 =	sshll.u32 @!p0 s12, $0xA  }
0x2f: {  	s19 =	sshll.u32 @!p0 s11, $0x3;
	s18 =	sand.u32 @!p0 $0xFFFFE000, s18  }
0x30: {  	s18 =	sadd.s32 @!p0 s18, s19  }
0x31: {  	s18 =	sshrl.u32 @!p0 s18, $0xA  }
0x32: {  	s19 =	smulhi.u32 @!p0 $0x2762763, s18  }
0x33: {  	s20 =	sshll.u32 @!p0 s12, $0x7;
	s22 =	smul.u32 @!p0 $0x3400, s13  }
0x34: {  	s21 =	sand.u32 @!p0 $0x78, s11;
	s20 =	sand.u32 @!p0 $0x380, s20;
	s19 =	smul.u32 @!p0 $0x68, s19  }
0x35: {  	s31 =	sadd.s32 $0xFFFFFFFF, s14;
	s20 =	sor.u32 @!p0 s21, s20;
	s21 =	sadd.s32 @!p0 s7, s22  }
0x36: {  	s20 =	sshrl.u32 @!p0 s20, $0x3;
	s18 =	ssub.s32 @!p0 s18, s19;
	s19 =	sxor.u32 @!p0 $0xFFFFFFFF, s14  }
0x37: {  	s20 =	sadd.s32 @!p0 s20, s21;
	s21 =	sand.u32 @!p0 $0x7, s11;
	s19 =	sshll.u32 @!p0 s19, $0xE  }
0x38: {  	s21 =	sshll.u32 @!p0 s21, $0x12;
	s18 =	sshll.u32 @!p0 s18, $0x7;
	s19 =	sand.u32 @!p0 $0x4000, s19  }
0x39: {  	s18 =	sadd.s32 @!p0 s18, s20;
	s20 =	sor.u32 @!p0 $0x80, s21;
	s21 =	simm.s32 @!p0 $0x1A000  }
0x3a: {  	[tilespmem:s19], [sflag:$0x1] =	stream.strided.gather @!p0 [hbm4b:s18+s20], $0x4000, s21, s20, $0x38;
	[tilespmem:$0x10000] =	vst v63  }
0x3b: {  	p0 =	sge.u32 s31, s6  }
.Ltmp2:
0x3c: {  	_ = 	snop;
	(pc) =	sbr.rel @p0 .LBB1_5-.Ltmp2, $1  }
0x3d: {  	_ =	sdelay $0x3  }
0x3e: {  	s18 =	sand.u32 $0x4000, s10  }
0x3f: {  	s19 =	sor.u32 $0x70, s18  }
0x40: {  	v1 =	vmov s19;
	_ =	sdelay $0x1  }
0x41: {  	_ =	swait.ge [sflag:s5], $0x4000  }
0x42: {  	[sflag:s5] =	ssyncset.done $0x0  }
0x43: {  	s20 =	simm.s32 $0x0;
	[sflag:s5] =	ssyncadd.s32 $0xFFFFC000  }
0x44: {  	s18 =	sor.u32 $0x8040, s18;
	v7 =	vld.idx.msk [tilespmem:v1+s20+$0x0 ss:$0x1], $0xffff  }
0x45: {  	v0 =	vmov s18;
	v8 =	vld.idx.msk [tilespmem:v1+s20+$0xFFFFFF90 ss:$0x1], $0xffff  }
0x46: {  	v6 =	vld.idx.msk [tilespmem:v1+s20+$0xFFFFFFA0 ss:$0x1], $0xffff  }
0x47: {  	v4 =	vld.idx.msk [tilespmem:v1+s20+$0xFFFFFFB0 ss:$0x1], $0xffff  }
0x48: {  	v2 =	vld.idx.msk [tilespmem:v1+s20+$0xFFFFFFC0 ss:$0x1], $0xffff  }
0x49: {  	s31 =	sshll.u32 s14, $0xE;
	v3 =	vld.idx.msk [tilespmem:v1+s20+$0xFFFFFFD0 ss:$0x1], $0xffff  }
0x4a: {  	s18 =	sand.u32 $0x4000, s31;
	v5 =	vld.idx.msk [tilespmem:v1+s20+$0xFFFFFFE0 ss:$0x1], $0xffff;
	[tilespmem:v0+s20+$0x30 ss:$0x1] =	vst.idx.msk $0xffff, v7  }
0x4b: {  	s21 =	simm.s32 $0x400;
	s19 =	simm.s32 $0x80;
	s18 =	sor.u32 $0x8000, s18;
	[tilespmem:v0+s20+$0xFFFFFFC0 ss:$0x1] =	vst.idx.msk $0xffff, v8;
	v7 =	vld.idx.msk [tilespmem:v1+s20+$0xFFFFFFF0 ss:$0x1], $0xffff  }
.LBB1_3:
0x4c: {  	p0 =	sne.s32 s21, $0xFE00;
	v8 =	vld.idx.msk [tilespmem:v1+s19+$0x0 ss:$0x1], $0xffff;
	[tilespmem:v0+s20+$0xFFFFFFD0 ss:$0x1] =	vst.idx.msk $0xffff, v6  }
0x4d: {  	v9 =	vld.idx.msk [tilespmem:v1+s19+$0xFFFFFF90 ss:$0x1], $0xffff;
	[tilespmem:v0+s20+$0xFFFFFFE0 ss:$0x1] =	vst.idx.msk $0xffff, v4  }
0x4e: {  	v6 =	vld.idx.msk [tilespmem:v1+s19+$0xFFFFFFA0 ss:$0x1], $0xffff;
	[tilespmem:v0+s20+$0xFFFFFFF0 ss:$0x1] =	vst.idx.msk $0xffff, v2  }
.Ltmp3:
0x4f: {  	v4 =	vld.idx.msk [tilespmem:v1+s19+$0xFFFFFFB0 ss:$0x1], $0xffff;
	[tilespmem:v0+s20+$0x0 ss:$0x1] =	vst.idx.msk $0xffff, v3;
	(pc) =	sbr.rel @p0 .LBB1_3-.Ltmp3, $4  }
0x50: {  	v2 =	vld.idx.msk [tilespmem:v1+s19+$0xFFFFFFC0 ss:$0x1], $0xffff;
	[tilespmem:v0+s20+$0x10 ss:$0x1] =	vst.idx.msk $0xffff, v5  }
0x51: {  	v3 =	vld.idx.msk [tilespmem:v1+s19+$0xFFFFFFD0 ss:$0x1], $0xffff;
	[tilespmem:v0+s20+$0x20 ss:$0x1] =	vst.idx.msk $0xffff, v7;
	s20 =	smov.u32 s19  }
0x52: {  	v5 =	vld.idx.msk [tilespmem:v1+s20+$0xFFFFFFE0 ss:$0x1], $0xffff;
	[tilespmem:v0+s20+$0x30 ss:$0x1] =	vst.idx.msk $0xffff, v8  }
0x53: {  	s19 =	sshra.s32 s21, $0x2;
	s21 =	sadd.s32 $0x200, s21;
	[tilespmem:v0+s20+$0xFFFFFFC0 ss:$0x1] =	vst.idx.msk $0xffff, v9;
	v7 =	vld.idx.msk [tilespmem:v1+s20+$0xFFFFFFF0 ss:$0x1], $0xffff  }
.Ltmp4:
0x54: {  	_ = 	snop;
	(pc) =	sbr.rel .LBB1_4-.Ltmp4, $1  }
0x55: {  	_ =	sdelay $0x3  }
.LBB1_6:
0x56: {  	_ =	sfence.sel $0x180000  }
0x57: {  	s1 =	simm.s32 $0x1;
	[bflag:$0x0] =	sbarrier.arrive $0xFFFF  }
0x58: {  	s31 =	simm.s32 $0x2;
	[sflag:s1] =	ssyncpa.u1 $0x1  }
0x59: {  	[sflag:s31] =	ssyncpa.u1 $0x1  }
0x5a: {  	p0 =	sne.s32 s0, $0x0;
	_ =	strace $0x9000004A  }
0x5b: {  	s0 =	sadd.s32 @!p0 $0x100000, s3;
	[bflag:$0x2] =	sbarrier.arrive $0xFFFF  }
0x5c: {  	[sflag:s0] =	ssyncadd.tile.s32 @!p0 $0x1;
	_ =	shalt  }
.Lfunc_end1:
_tile_overlayer_lowered:
.L_overlay_start_2:
0x5d: {  	(tag) =	ssettag $0x2  }
0x5e: {  	s0 =	rddreg [dreg:$0x0];
	s2 =	stileid.u32  }
0x5f: {  	s1 =	rddreg [dreg:$0x1];
	p0 =	sne.s32 s2, $0x0  }
0x60: {  	s3 =	rddreg [dreg:$0x2];
	[bflag:$0x3] =	sbarrier.arrive $0xFFFF;
	s2 =	simm.s32 @!p0 $0x1C01  }
0x61: {  	[timem:s3], [sflag:s2] =	dma.local @!p0 [hbm:s0], s1  }
0x62: {  	s0 =	simm.s32 @!p0 $0x1  }
0x63: {  	_ =	swait.ge @!p0 [sflag:s0], s1  }
0x64: {  	s1 =	ssub.s32 @!p0 $0x0, s1;
	[sflag:s0] =	ssyncset.done @!p0 $0x0  }
0x65: {  	[sflag:s0] =	ssyncadd.s32 @!p0 s1  }
0x66: {  	[bflag:$0x3] =	sbarrier.arrive $0xFFFF  }
0x67: {  	_ =	shalt  }

</sc_bundles>
